<compile_context>
chip_gen: v7x
topology: tpu7x:2x2x1
jax: 0.10.2.dev20260603
libtpu: 0.0.44.dev20260713+nightly
codegen_flags: <defaults>
</compile_context>

<pallas_src>
import dataclasses
import functools

import jax
import jax.numpy as jnp
from jax import lax
from jax.experimental import pallas as pl
from jax.experimental.pallas import tpu as pltpu
from jax.experimental.pallas import tpu_sc as plsc

_N = 10000
_NP = 10240
_E = 320000
_D = 128

_NC = 2
_NS = 16
_NW = _NC * _NS
_EPW = _E // _NW
_CH = 80
_NCHUNK = 125
_EPWP = _NCHUNK * _CH
_RING = 3
_ISLOT = 6
_LK = 2
_SL = 1
_PF = 4
_RPS = _NP // _NS
_HR = 80

_mesh = plsc.VectorSubcoreMesh(core_axis_name="c", subcore_axis_name="s")

_sc_params = pltpu.CompilerParams()
if "needs_layout_passes" in pltpu.CompilerParams.__dataclass_fields__:
    _sc_params = dataclasses.replace(_sc_params, needs_layout_passes=False)


def _deg_body(dst_hbm, degp_hbm, hist_v, didx_v, row80_v, shist, sem):
    c = lax.axis_index("c")
    s = lax.axis_index("s")
    wid = c * _NS + s

    pltpu.async_copy(dst_hbm.at[pl.ds(wid * _EPW, _EPW)], didx_v, sem)

    z16 = jnp.zeros((16,), jnp.float32)

    @pl.loop(0, _HR)
    def _(r):
        for k in range(_D // 16):
            hist_v[r, pl.ds(k * 16, 16)] = z16

    @pl.loop(0, _HR // 16)
    def _(i):
        row80_v[pl.ds(i * 16, 16)] = lax.iota(jnp.int32, 16) + i * 16

    @pl.when(s == 0)
    def _():
        pltpu.sync_copy(hist_v, shist)

    pltpu.make_async_copy(dst_hbm.at[pl.ds(wid * _EPW, _EPW)], didx_v, sem).wait()

    ones = jnp.full((16,), 1.0, jnp.float32)

    @pl.loop(0, _EPW // 16)
    def _(i):
        idx = didx_v[pl.ds(i * 16, 16)]
        r = lax.shift_right_logical(idx, 7)
        col = lax.bitwise_and(idx, 127)
        plsc.addupdate_scatter(hist_v, [r, col], ones)

    plsc.subcore_barrier()
    pltpu.sync_copy(hist_v, shist.at[row80_v], add=True)
    plsc.subcore_barrier()

    @pl.when(s == 0)
    def _():
        pltpu.sync_copy(shist, degp_hbm.at[c])


@jax.jit
def _deg(dst):
    k = pl.kernel(
        _deg_body,
        out_type=jax.ShapeDtypeStruct((_NC, _HR, _D), jnp.float32),
        mesh=_mesh,
        scratch_types=[
            pltpu.VMEM((_HR, _D), jnp.float32),
            pltpu.VMEM((_EPW,), jnp.int32),
            pltpu.VMEM((_HR,), jnp.int32),
            pltpu.VMEM_SHARED((_HR, _D), jnp.float32),
            pltpu.SemaphoreType.DMA,
        ],
        compiler_params=_sc_params,
    )
    return k(dst)


def _agg_body(hp_hbm, srcx_hbm, dstx_hbm, out_hbm, *scr):
    acc = scr[0]
    o = 1
    rows = scr[o:o + _RING]; o += _RING
    isrc = scr[o:o + _ISLOT]; o += _ISLOT
    idst = scr[o:o + _ISLOT]; o += _ISLOT
    gsem = scr[o:o + _RING]; o += _RING
    ssem = scr[o:o + _RING]; o += _RING
    pisem = scr[o:o + _ISLOT]; o += _ISLOT
    pjsem = scr[o:o + _ISLOT]; o += _ISLOT
    zsem = scr[o]
    c = lax.axis_index("c")
    s = lax.axis_index("s")
    wid = c * _NS + s
    rbase = s * _RPS
    ebase = wid * _EPWP
    tail = _NS - 1
    rtail = _N - tail * _RPS

    def i_issue(i, sl):
        off = ebase + i * _CH
        pltpu.async_copy(srcx_hbm.at[pl.ds(off, _CH)], isrc[sl], pisem[sl])
        pltpu.async_copy(dstx_hbm.at[pl.ds(off, _CH)], idst[sl], pjsem[sl])

    def i_wait(i, sl):
        off = ebase + i * _CH
        pltpu.make_async_copy(srcx_hbm.at[pl.ds(off, _CH)], isrc[sl], pisem[sl]).wait()
        pltpu.make_async_copy(dstx_hbm.at[pl.ds(off, _CH)], idst[sl], pjsem[sl]).wait()

    def g_start(b, sl):
        pltpu.async_copy(hp_hbm.at[isrc[sl]], rows[b], gsem[b])

    def g_wait(b, sl):
        pltpu.make_async_copy(hp_hbm.at[isrc[sl]], rows[b], gsem[b]).wait()

    def s_start(b, sl):
        pltpu.async_copy(rows[b], acc.at[idst[sl]], ssem[b], add=True)

    def s_wait(b, sl):
        pltpu.make_async_copy(rows[b], acc.at[idst[sl]], ssem[b]).wait()

    def phase(i, sl, first=False, stop_issue=False, stop_next=False):
        b = sl % _RING
        g_wait(b, sl)
        s_start(b, sl)
        if not first:
            s_wait((b + _RING - _SL) % _RING, (sl + _ISLOT - _SL) % _ISLOT)
        if not stop_issue:
            i_issue(i + _PF, (sl + _PF) % _ISLOT)
        if not stop_next:
            i_wait(i + _LK, (sl + _LK) % _ISLOT)
            g_start((b + _LK) % _RING, (sl + _LK) % _ISLOT)

    for i0 in range(_PF):
        i_issue(i0, i0)

    nfull = _RPS // _CH
    ntail = rtail // _CH
    z16 = jnp.zeros((16,), jnp.float32)

    @pl.when(jnp.logical_and(c == 0, s < tail))
    def _():
        pltpu.async_copy(hp_hbm.at[pl.ds(rbase, _RPS)],
                         acc.at[pl.ds(rbase, _RPS)], zsem)

    @pl.when(jnp.logical_and(c == 0, s == tail))
    def _():
        pltpu.async_copy(hp_hbm.at[pl.ds(tail * _RPS, rtail)],
                         acc.at[pl.ds(tail * _RPS, rtail)], zsem)

    @pl.when(c == 1)
    def _():
        @pl.loop(0, _CH)
        def _(r):
            for k in range(_D // 16):
                rows[2][r, pl.ds(k * 16, 16)] = z16

        @pl.when(s < tail)
        def _():
            for k in range(nfull):
                pltpu.async_copy(rows[2], acc.at[pl.ds(rbase + k * _CH, _CH)], zsem)

        @pl.when(s == tail)
        def _():
            for k in range(ntail):
                pltpu.async_copy(rows[2], acc.at[pl.ds(tail * _RPS + k * _CH, _CH)], zsem)

    for i0 in range(_LK):
        i_wait(i0, i0)
        g_start(i0, i0)

    @pl.when(jnp.logical_and(c == 0, s < tail))
    def _():
        pltpu.make_async_copy(hp_hbm.at[pl.ds(rbase, _RPS)],
                              acc.at[pl.ds(rbase, _RPS)], zsem).wait()

    @pl.when(jnp.logical_and(c == 0, s == tail))
    def _():
        pltpu.make_async_copy(hp_hbm.at[pl.ds(tail * _RPS, rtail)],
                              acc.at[pl.ds(tail * _RPS, rtail)], zsem).wait()

    @pl.when(jnp.logical_and(c == 1, s < tail))
    def _():
        for k in range(nfull):
            pltpu.make_async_copy(rows[2], acc.at[pl.ds(rbase + k * _CH, _CH)],
                                  zsem).wait()

    @pl.when(jnp.logical_and(c == 1, s == tail))
    def _():
        for k in range(ntail):
            pltpu.make_async_copy(rows[2],
                                  acc.at[pl.ds(tail * _RPS + k * _CH, _CH)],
                                  zsem).wait()

    plsc.subcore_barrier()

    for u in range(_ISLOT):
        phase(u, u, first=(u < _SL))

    @pl.loop(1, _NCHUNK // _ISLOT)
    def _(m):
        i = m * _ISLOT
        for u in range(_ISLOT):
            phase(i + u, u)

    for i in range(6 * (_NCHUNK // 6), _NCHUNK):
        phase(i, i % _ISLOT,
              stop_issue=(i + _PF >= _NCHUNK), stop_next=(i + _LK >= _NCHUNK))

    for k in range(_SL):
        i = _NCHUNK - _SL + k
        s_wait(i % _RING, i % _ISLOT)

    plsc.subcore_barrier()

    @pl.when(s < tail)
    def _():
        pltpu.sync_copy(acc.at[pl.ds(rbase, _RPS)],
                        out_hbm.at[c, pl.ds(rbase, _RPS)])

    @pl.when(s == tail)
    def _():
        pltpu.sync_copy(acc.at[pl.ds(tail * _RPS, rtail)],
                        out_hbm.at[c, pl.ds(tail * _RPS, rtail)])


@jax.jit
def _agg(hp, srcx, dstx):
    k = pl.kernel(
        _agg_body,
        out_type=jax.ShapeDtypeStruct((_NC, _N, _D), jnp.float32),
        mesh=_mesh,
        scratch_types=(
            [pltpu.VMEM_SHARED((_NP, _D), jnp.float32)]
            + [pltpu.VMEM((_CH, _D), jnp.float32) for _ in range(_RING)]
            + [pltpu.VMEM((_CH,), jnp.int32) for _ in range(2 * _ISLOT)]
            + [pltpu.SemaphoreType.DMA for _ in range(2 * _RING + 2 * _ISLOT + 1)]
        ),
        compiler_params=_sc_params,
    )
    return k(hp, srcx, dstx)


_RB = 1000


def _mm1_body(x_ref, w_ref, d_ref, hp_ref, dinv_ref):
    dv = lax.rsqrt(d_ref[...] + 1.0)
    dinv_ref[...] = dv
    hp_ref[...] = jnp.dot(x_ref[...] * dv, w_ref[...],
                          preferred_element_type=jnp.float32)


@jax.jit
def _mm1(x, w, d):
    return pl.pallas_call(
        _mm1_body,
        grid=(_N // _RB,),
        in_specs=[
            pl.BlockSpec((_RB, _D), lambda i: (i, 0)),
            pl.BlockSpec((_D, _D), lambda i: (0, 0)),
            pl.BlockSpec((_RB, 1), lambda i: (i, 0)),
        ],
        out_specs=[
            pl.BlockSpec((_RB, _D), lambda i: (i, 0)),
            pl.BlockSpec((_RB, 1), lambda i: (i, 0)),
        ],
        out_shape=[
            jax.ShapeDtypeStruct((_N, _D), jnp.float32),
            jax.ShapeDtypeStruct((_N, 1), jnp.float32),
        ],
    )(x, w, d)


def _mid_body(p0_ref, p1_ref, dinv_ref, b1_ref, w2_ref, o_ref):
    u = jnp.maximum(dinv_ref[...] * (p0_ref[...] + p1_ref[...]) + b1_ref[...],
                    0.0)
    o_ref[...] = jnp.dot(u, w2_ref[...],
                         preferred_element_type=jnp.float32) * dinv_ref[...]


@jax.jit
def _mid(p0, p1, dinv, b1, w2):
    return pl.pallas_call(
        _mid_body,
        grid=(_N // _RB,),
        in_specs=[
            pl.BlockSpec((_RB, _D), lambda i: (i, 0)),
            pl.BlockSpec((_RB, _D), lambda i: (i, 0)),
            pl.BlockSpec((_RB, 1), lambda i: (i, 0)),
            pl.BlockSpec((1, _D), lambda i: (0, 0)),
            pl.BlockSpec((_D, _D), lambda i: (0, 0)),
        ],
        out_specs=pl.BlockSpec((_RB, _D), lambda i: (i, 0)),
        out_shape=jax.ShapeDtypeStruct((_N, _D), jnp.float32),
    )(p0, p1, dinv, b1, w2)


def _fin_body(q0_ref, q1_ref, dinv_ref, b2_ref, o_ref):
    o_ref[...] = dinv_ref[...] * (q0_ref[...] + q1_ref[...]) + b2_ref[...]


@jax.jit
def _fin(q0, q1, dinv, b2):
    return pl.pallas_call(
        _fin_body,
        grid=(_N // _RB,),
        in_specs=[
            pl.BlockSpec((_RB, _D), lambda i: (i, 0)),
            pl.BlockSpec((_RB, _D), lambda i: (i, 0)),
            pl.BlockSpec((_RB, 1), lambda i: (i, 0)),
            pl.BlockSpec((1, _D), lambda i: (0, 0)),
        ],
        out_specs=pl.BlockSpec((_RB, _D), lambda i: (i, 0)),
        out_shape=jax.ShapeDtypeStruct((_N, _D), jnp.float32),
    )(q0, q1, dinv, b2)


def kernel(x, edge_index, W1, b1, W2, b2):
    src = edge_index[0]
    dst = edge_index[1]
    b1r = b1.reshape(1, _D)
    b2r = b2.reshape(1, _D)

    degp = _deg(dst)
    d = (degp[0] + degp[1]).reshape(-1)[:_N][:, None]
    h1p, dinv = _mm1(x, W1, d)
    p = _agg(h1p, src, dst)
    h2p = _mid(p[0], p[1], dinv, b1r, W2)
    q = _agg(h2p, src, dst)
    return _fin(q[0], q[1], dinv, b2r)

# --- scband reference (transcript-rebuilt; emitter-appended) ---
"""Pipeline reference for scband-generic-gnn-91293824844384 (READ-ONLY COPY).

The authoritative reference and input builder live on the scoring server;
editing this copy changes nothing except your own understanding.
"""

import jax, jax.numpy as jnp
import numpy as np

N = 10000
E = 320000
D = 128

def setup_inputs(seed: int = 0) -> dict:
    key = jax.random.key(seed)
    k1, k2, k3, k4, k5, k6 = jax.random.split(key, 6)
    x = jax.random.normal(k1, (N, D), dtype=jnp.float32)
    edge_index = jax.random.randint(k2, (2, E), 0, N, dtype=jnp.int32)
    s = 1.0 / np.sqrt(D)
    W1 = jax.random.uniform(k3, (D, D), dtype=jnp.float32, minval=-s, maxval=s)
    b1 = jax.random.uniform(k4, (D,), dtype=jnp.float32, minval=-s, maxval=s)
    W2 = jax.random.uniform(k5, (D, D), dtype=jnp.float32, minval=-s, maxval=s)
    b2 = jax.random.uniform(k6, (D,), dtype=jnp.float32, minval=-s, maxval=s)
    return {"x": x, "edge_index": edge_index, "W1": W1, "b1": b1, "W2": W2, "b2": b2}


def _gcn_conv(x, W, b, src, dst, n_nodes):
    # GCNConv: linear transform, add self-loops, symmetric normalization, scatter-add aggregate
    h = x @ W
    loop = jnp.arange(n_nodes, dtype=src.dtype)
    src_f = jnp.concatenate([src, loop])
    dst_f = jnp.concatenate([dst, loop])
    deg = jax.ops.segment_sum(jnp.ones_like(src_f, dtype=h.dtype), dst_f, num_segments=n_nodes)
    dinv = jnp.where(deg > 0, jax.lax.rsqrt(jnp.maximum(deg, 1e-12)), 0.0)
    norm = dinv[src_f] * dinv[dst_f]
    msg = h[src_f] * norm[:, None]
    out = jax.ops.segment_sum(msg, dst_f, num_segments=n_nodes)
    return out + b


def reference(x, edge_index, W1, b1, W2, b2):
    src = edge_index[0]
    dst = edge_index[1]
    h = _gcn_conv(x, W1, b1, src, dst, N)
    h = jax.nn.relu(h)
    out = _gcn_conv(h, W2, b2, src, dst, N)
    return out

if __name__ == "__main__":
    import jax
    _d = setup_inputs()
    print(jax.jit(kernel)(*tuple(_d.values())))

</pallas_src>

<mosaic_0001>
#map = affine_map<(d0, d1) -> (0)>
#map1 = affine_map<(d0, d1) -> (0, 0, 0)>
module attributes {stable_mosaic.version = 14 : i64} {
  func.func @_deg_body(%arg0: i32, %arg1: i32, %arg2: memref<320000xi32, #tpu.memory_space<hbm>>, %arg3: memref<2x80x128xf32, #tpu.memory_space<hbm>>, %arg4: memref<80x128xf32, #tpu.memory_space<vmem>>, %arg5: memref<10000xi32, #tpu.memory_space<vmem>>, %arg6: memref<80xi32, #tpu.memory_space<vmem>>, %arg7: memref<80x128xf32, #tpu.memory_space<vmem_shared>>, %arg8: memref<!tpu.dma_semaphore, #tpu.memory_space<semaphore_mem>>) attributes {dimension_semantics = [#tpu.dimension_semantics<core_parallel>, #tpu.dimension_semantics<subcore_parallel>], iteration_bounds = array<i64: 2, 16>, scalar_prefetch = 0 : i64, scratch_operands = 5 : i64, tpu.core_type = #tpu.core_type<sc_vector_subcore>, window_params = [{transform_indices = #map}, {transform_indices = #map1}]} {
    %mul3A = arith.constant 16 : i32
    %mul3A_0 = arith.muli %arg0, %mul3A : i32
    %add3A = arith.addi %mul3A_0, %arg1 : i32
    %mul3A_1 = arith.constant 10000 : i32
    %mul3A_2 = arith.muli %add3A, %mul3A_1 : i32
    %dma_start3A = tpu.memref_slice %arg2[%mul3A_2] : memref<320000xi32, #tpu.memory_space<hbm>> -> memref<10000xi32, #tpu.memory_space<hbm>>
    %dma_start3A_3 = tpu.memref_slice %arg2[%mul3A_2] : memref<320000xi32, #tpu.memory_space<hbm>> -> memref<10000xi32, #tpu.memory_space<hbm>>
    tpu.enqueue_dma source(%dma_start3A_3 : memref<10000xi32, #tpu.memory_space<hbm>>) target(%arg5 : memref<10000xi32, #tpu.memory_space<vmem>>) target_semaphore(%arg8 : memref<!tpu.dma_semaphore, #tpu.memory_space<semaphore_mem>>)
    %broadcast_in_dim3A = arith.constant 0.000000e+00 : f32
    %broadcast_in_dim3A_4 = vector.broadcast %broadcast_in_dim3A : f32 to vector<16xf32>
    %scan3A = arith.constant 0 : i32
    %scan3A_5 = arith.constant 80 : i32
    %scan3A_6 = arith.addi %scan3A, %scan3A_5 : i32
    %scan3A_7 = arith.constant 1 : i32
    scf.for %scan3A_32 = %scan3A to %scan3A_6 step %scan3A_7  : i32 {
      %mul3A_33 = arith.constant 1 : i32
      %mul3A_34 = arith.muli %scan3A_32, %mul3A_33 : i32
      %add3A_35 = arith.constant 0 : i32
      %add3A_36 = arith.addi %add3A_35, %mul3A_34 : i32
      %swap3A = arith.index_cast %add3A_36 : i32 to index
      %swap3A_37 = arith.constant 0 : index
      %swap3A_38 = tpu.vector_load %arg4[%swap3A, %swap3A_37] {strides = array<i32>} : memref<80x128xf32, #tpu.memory_space<vmem>>, vector<16xf32>,
      tpu.vector_store %arg4[%swap3A, %swap3A_37], %broadcast_in_dim3A_4 {strides = array<i32>} : memref<80x128xf32, #tpu.memory_space<vmem>>, vector<16xf32>,
      %swap3A_39 = arith.index_cast %add3A_36 : i32 to index
      %swap3A_40 = arith.constant 16 : index
      %swap3A_41 = tpu.vector_load %arg4[%swap3A_39, %swap3A_40] {strides = array<i32>} : memref<80x128xf32, #tpu.memory_space<vmem>>, vector<16xf32>,
      tpu.vector_store %arg4[%swap3A_39, %swap3A_40], %broadcast_in_dim3A_4 {strides = array<i32>} : memref<80x128xf32, #tpu.memory_space<vmem>>, vector<16xf32>,
      %swap3A_42 = arith.index_cast %add3A_36 : i32 to index
      %swap3A_43 = arith.constant 32 : index
      %swap3A_44 = tpu.vector_load %arg4[%swap3A_42, %swap3A_43] {strides = array<i32>} : memref<80x128xf32, #tpu.memory_space<vmem>>, vector<16xf32>,
      tpu.vector_store %arg4[%swap3A_42, %swap3A_43], %broadcast_in_dim3A_4 {strides = array<i32>} : memref<80x128xf32, #tpu.memory_space<vmem>>, vector<16xf32>,
      %swap3A_45 = arith.index_cast %add3A_36 : i32 to index
      %swap3A_46 = arith.constant 48 : index
      %swap3A_47 = tpu.vector_load %arg4[%swap3A_45, %swap3A_46] {strides = array<i32>} : memref<80x128xf32, #tpu.memory_space<vmem>>, vector<16xf32>,
      tpu.vector_store %arg4[%swap3A_45, %swap3A_46], %broadcast_in_dim3A_4 {strides = array<i32>} : memref<80x128xf32, #tpu.memory_space<vmem>>, vector<16xf32>,
      %swap3A_48 = arith.index_cast %add3A_36 : i32 to index
      %swap3A_49 = arith.constant 64 : index
      %swap3A_50 = tpu.vector_load %arg4[%swap3A_48, %swap3A_49] {strides = array<i32>} : memref<80x128xf32, #tpu.memory_space<vmem>>, vector<16xf32>,
      tpu.vector_store %arg4[%swap3A_48, %swap3A_49], %broadcast_in_dim3A_4 {strides = array<i32>} : memref<80x128xf32, #tpu.memory_space<vmem>>, vector<16xf32>,
      %swap3A_51 = arith.index_cast %add3A_36 : i32 to index
      %swap3A_52 = arith.constant 80 : index
      %swap3A_53 = tpu.vector_load %arg4[%swap3A_51, %swap3A_52] {strides = array<i32>} : memref<80x128xf32, #tpu.memory_space<vmem>>, vector<16xf32>,
      tpu.vector_store %arg4[%swap3A_51, %swap3A_52], %broadcast_in_dim3A_4 {strides = array<i32>} : memref<80x128xf32, #tpu.memory_space<vmem>>, vector<16xf32>,
      %swap3A_54 = arith.index_cast %add3A_36 : i32 to index
      %swap3A_55 = arith.constant 96 : index
      %swap3A_56 = tpu.vector_load %arg4[%swap3A_54, %swap3A_55] {strides = array<i32>} : memref<80x128xf32, #tpu.memory_space<vmem>>, vector<16xf32>,
      tpu.vector_store %arg4[%swap3A_54, %swap3A_55], %broadcast_in_dim3A_4 {strides = array<i32>} : memref<80x128xf32, #tpu.memory_space<vmem>>, vector<16xf32>,
      %swap3A_57 = arith.index_cast %add3A_36 : i32 to index
      %swap3A_58 = arith.constant 112 : index
      %swap3A_59 = tpu.vector_load %arg4[%swap3A_57, %swap3A_58] {strides = array<i32>} : memref<80x128xf32, #tpu.memory_space<vmem>>, vector<16xf32>,
      tpu.vector_store %arg4[%swap3A_57, %swap3A_58], %broadcast_in_dim3A_4 {strides = array<i32>} : memref<80x128xf32, #tpu.memory_space<vmem>>, vector<16xf32>,
    }
    %scan3A_8 = arith.constant 80 : i32
    %scan3A_9 = arith.constant 0 : i32
    %scan3A_10 = arith.constant 5 : i32
    %scan3A_11 = arith.addi %scan3A_9, %scan3A_10 : i32
    %scan3A_12 = arith.constant 1 : i32
    scf.for %scan3A_32 = %scan3A_9 to %scan3A_11 step %scan3A_12  : i32 {
      %mul3A_33 = arith.constant 1 : i32
      %mul3A_34 = arith.muli %scan3A_32, %mul3A_33 : i32
      %add3A_35 = arith.constant 0 : i32
      %add3A_36 = arith.addi %add3A_35, %mul3A_34 : i32
      %iota3A = tpu.iota {dimensions = array<i32: 0>} : vector<16xi32>
      %mul3A_37 = arith.constant 16 : i32
      %mul3A_38 = arith.muli %add3A_36, %mul3A_37 : i32
      %add3A_39 = vector.broadcast %mul3A_38 : i32 to vector<16xi32>
      %add3A_40 = arith.addi %iota3A, %add3A_39 : vector<16xi32>
      %mul3A_41 = arith.constant 16 : i32
      %mul3A_42 = arith.muli %add3A_36, %mul3A_41 : i32
      %swap3A = arith.index_cast %mul3A_42 : i32 to index
      %swap3A_43 = tpu.vector_load %arg6[%swap3A] {strides = array<i32>} : memref<80xi32, #tpu.memory_space<vmem>>, vector<16xi32>,
      tpu.vector_store %arg6[%swap3A], %add3A_40 {strides = array<i32>} : memref<80xi32, #tpu.memory_space<vmem>>, vector<16xi32>,
    }
    %scan3A_13 = arith.constant 5 : i32
    %eq3A = arith.constant 0 : i32
    %eq3A_14 = arith.cmpi eq, %arg1, %eq3A : i32
    %convert_element_type3A = arith.extui %eq3A_14 : i1 to i32
    %cond3A = arith.constant 0 : i32
    %cond3A_15 = arith.cmpi ne, %convert_element_type3A, %cond3A : i32
    scf.if %cond3A_15 {
      "tpu.region"() ({
        %run_scoped3A = tpu.sem_alloc : memref<!tpu.dma_semaphore, #tpu.memory_space<semaphore_mem>>
        tpu.enqueue_dma source(%arg4 : memref<80x128xf32, #tpu.memory_space<vmem>>) target(%arg7 : memref<80x128xf32, #tpu.memory_space<vmem_shared>>) target_semaphore(%run_scoped3A : memref<!tpu.dma_semaphore, #tpu.memory_space<semaphore_mem>>)
        tpu.wait_dma2 semaphore(%run_scoped3A : memref<!tpu.dma_semaphore, #tpu.memory_space<semaphore_mem>>) src(%arg4 : memref<80x128xf32, #tpu.memory_space<vmem>>) dst(%arg7 : memref<80x128xf32, #tpu.memory_space<vmem_shared>>)
        tpu.yield
      }) : () -> ()
    } else {
    }
    %mul3A_16 = arith.constant 10000 : i32
    %mul3A_17 = arith.muli %add3A, %mul3A_16 : i32
    %dma_wait3A = tpu.memref_slice %arg2[%mul3A_17] : memref<320000xi32, #tpu.memory_space<hbm>> -> memref<10000xi32, #tpu.memory_space<hbm>>
    %dma_wait3A_18 = tpu.memref_slice %arg2[%mul3A_17] : memref<320000xi32, #tpu.memory_space<hbm>> -> memref<10000xi32, #tpu.memory_space<hbm>>
    tpu.wait_dma2 semaphore(%arg8 : memref<!tpu.dma_semaphore, #tpu.memory_space<semaphore_mem>>) src(%dma_wait3A_18 : memref<10000xi32, #tpu.memory_space<hbm>>) dst(%arg5 : memref<10000xi32, #tpu.memory_space<vmem>>)
    %broadcast_in_dim3A_19 = arith.constant 1.000000e+00 : f32
    %broadcast_in_dim3A_20 = vector.broadcast %broadcast_in_dim3A_19 : f32 to vector<16xf32>
    %scan3A_21 = arith.constant 0 : i32
    %scan3A_22 = arith.constant 625 : i32
    %scan3A_23 = arith.addi %scan3A_21, %scan3A_22 : i32
    %scan3A_24 = arith.constant 1 : i32
    scf.for %scan3A_32 = %scan3A_21 to %scan3A_23 step %scan3A_24  : i32 {
      %mul3A_33 = arith.constant 1 : i32
      %mul3A_34 = arith.muli %scan3A_32, %mul3A_33 : i32
      %add3A_35 = arith.constant 0 : i32
      %add3A_36 = arith.addi %add3A_35, %mul3A_34 : i32
      %mul3A_37 = arith.constant 16 : i32
      %mul3A_38 = arith.muli %add3A_36, %mul3A_37 : i32
      %get3A = arith.index_cast %mul3A_38 : i32 to index
      %get3A_39 = tpu.vector_load %arg5[%get3A] {strides = array<i32>} : memref<10000xi32, #tpu.memory_space<vmem>>, vector<16xi32>,
      %shift_right_logical3A = arith.constant 7 : i32
      %shift_right_logical3A_40 = vector.broadcast %shift_right_logical3A : i32 to vector<16xi32>
      %shift_right_logical3A_41 = arith.shrui %get3A_39, %shift_right_logical3A_40 : vector<16xi32>
      %and3A = arith.constant 127 : i32
      %and3A_42 = vector.broadcast %and3A : i32 to vector<16xi32>
      %and3A_43 = arith.andi %get3A_39, %and3A_42 : vector<16xi32>
      tpu.vector_store_idx %arg4[%shift_right_logical3A_41, %and3A_43], %broadcast_in_dim3A_20 {add = true} : memref<80x128xf32, #tpu.memory_space<vmem>>[vector<16xi32>, vector<16xi32>], vector<16xf32>,
    }
    %scan3A_25 = arith.constant 625 : i32
    %barrier3A = arith.constant 0 : index
    tpu.barrier barrier_id(%barrier3A)
    "tpu.region"() ({
      %run_scoped3A = tpu.sem_alloc : memref<!tpu.dma_semaphore, #tpu.memory_space<semaphore_mem>>
      %dma_start3A_32 = arith.constant 0 : i32
      %dma_start3A_33 = arith.constant 0 : i32
      %dma_start3A_34 = tpu.memref_slice %arg7[%dma_start3A_32, %dma_start3A_33] : memref<80x128xf32, #tpu.memory_space<vmem_shared>> -> memref<80x128xf32, #tpu.memory_space<vmem_shared>>
      tpu.enqueue_indirect_dma source(%arg4 : memref<80x128xf32, #tpu.memory_space<vmem>>) target(%dma_start3A_34 : memref<80x128xf32, #tpu.memory_space<vmem_shared>>) offsets(%arg6 : memref<80xi32, #tpu.memory_space<vmem>>) semaphore(%run_scoped3A : memref<!tpu.dma_semaphore, #tpu.memory_space<semaphore_mem>>) {add = true}
      %dma_wait3A_35 = arith.constant 0 : i32
      %dma_wait3A_36 = arith.constant 0 : i32
      %dma_wait3A_37 = tpu.memref_slice %arg7[%dma_wait3A_35, %dma_wait3A_36] : memref<80x128xf32, #tpu.memory_space<vmem_shared>> -> memref<80x128xf32, #tpu.memory_space<vmem_shared>>
      tpu.wait_indirect_dma semaphore(%run_scoped3A : memref<!tpu.dma_semaphore, #tpu.memory_space<semaphore_mem>>) src(%arg4 : memref<80x128xf32, #tpu.memory_space<vmem>>) dst(%dma_wait3A_37 : memref<80x128xf32, #tpu.memory_space<vmem_shared>>)
      tpu.yield
    }) : () -> ()
    %barrier3A_26 = arith.constant 0 : index
    tpu.barrier barrier_id(%barrier3A_26)
    %eq3A_27 = arith.constant 0 : i32
    %eq3A_28 = arith.cmpi eq, %arg1, %eq3A_27 : i32
    %convert_element_type3A_29 = arith.extui %eq3A_28 : i1 to i32
    %cond3A_30 = arith.constant 0 : i32
    %cond3A_31 = arith.cmpi ne, %convert_element_type3A_29, %cond3A_30 : i32
    scf.if %cond3A_31 {
      "tpu.region"() ({
        %run_scoped3A = tpu.sem_alloc : memref<!tpu.dma_semaphore, #tpu.memory_space<semaphore_mem>>
        %dma_start3A_32 = arith.constant 0 : i32
        %dma_start3A_33 = arith.constant 0 : i32
        %dma_start3A_34 = tpu.memref_slice %arg3[%arg0, %dma_start3A_32, %dma_start3A_33] : memref<2x80x128xf32, #tpu.memory_space<hbm>> -> memref<1x80x128xf32, #tpu.memory_space<hbm>>
        %dma_start3A_35 = tpu.memref_squeeze %dma_start3A_34 : memref<1x80x128xf32, #tpu.memory_space<hbm>> -> memref<80x128xf32, #tpu.memory_space<hbm>>
        tpu.enqueue_dma source(%arg7 : memref<80x128xf32, #tpu.memory_space<vmem_shared>>) target(%dma_start3A_35 : memref<80x128xf32, #tpu.memory_space<hbm>>) target_semaphore(%run_scoped3A : memref<!tpu.dma_semaphore, #tpu.memory_space<semaphore_mem>>)
        %dma_wait3A_36 = arith.constant 0 : i32
        %dma_wait3A_37 = arith.constant 0 : i32
        %dma_wait3A_38 = tpu.memref_slice %arg3[%arg0, %dma_wait3A_36, %dma_wait3A_37] : memref<2x80x128xf32, #tpu.memory_space<hbm>> -> memref<1x80x128xf32, #tpu.memory_space<hbm>>
        %dma_wait3A_39 = tpu.memref_squeeze %dma_wait3A_38 : memref<1x80x128xf32, #tpu.memory_space<hbm>> -> memref<80x128xf32, #tpu.memory_space<hbm>>
        tpu.wait_dma2 semaphore(%run_scoped3A : memref<!tpu.dma_semaphore, #tpu.memory_space<semaphore_mem>>) src(%arg7 : memref<80x128xf32, #tpu.memory_space<vmem_shared>>) dst(%dma_wait3A_39 : memref<80x128xf32, #tpu.memory_space<hbm>>)
        tpu.yield
      }) : () -> ()
    } else {
    }
    return
  }
}

</mosaic_0001>

<sc_bundles>
// kernel: _deg.3.cloned.1.call-start
scs
__scs_entry_jumppad:
0x0: {  	(pc) =	sbr.rel $0x88, $3  }
0x1: {  	(tag) =	ssettag $0x0;
	lr =	simm.s32 $0x1  }
0x2: {  	[smem:$0x3FA0] =	sst lr;
	_ =	strace $0xD0000000  }
0x3: {  	_ = 	snop  }
0x4: {  	_ = 	snop  }
0x5: {  	_ = 	snop  }
0x6: {  	_ = 	snop  }
0x7: {  	_ = 	snop  }
__scs_overlays_trampoline_lowered:
0x8: {  	[smem:$0x3FAF] =	sst s0  }
0x9: {  	[smem:$0x3FB0] =	sst s1  }
0xa: {  	[smem:$0x3FB1] =	sst s2  }
0xb: {  	[smem:$0x3FB2] =	sst s3  }
0xc: {  	[smem:$0x3FB3] =	sst s4  }
0xd: {  	[smem:$0x3FB4] =	sst s5  }
0xe: {  	[smem:$0x3FB5] =	sst s6  }
0xf: {  	[smem:$0x3FB6] =	sst s7  }
0x10: {  	[smem:$0x3FB7] =	sst s8  }
0x11: {  	[smem:$0x3FB8] =	sst s9;
	s0 =	simm.s32 @!p0 $0x0  }
0x12: {  	s1 =	sld [smem:$0x3F9E];
	s0 =	simm.s32 @p0 $0x1  }
0x13: {  	[smem:$0x3FB9] =	sst s0;
	s0 =	simm.s32 @!p1 $0x0  }
0x14: {  	s2 =	sld [smem:$0x3F9D];
	s0 =	simm.s32 @p1 $0x1  }
0x15: {  	[smem:$0x3FBA] =	sst s0;
	s0 =	simm.s32 @!p2 $0x0  }
0x16: {  	s3 =	sld [smem:$0x3FDB];
	s0 =	simm.s32 @p2 $0x1  }
0x17: {  	s4 =	simm.s32 $0x1BF5;
	[smem:$0x3FBC] =	sst s0  }
0x18: {  	s0 =	sld [smem:$0x3F9F];
	_ =	swait.ge [sflag:s4], $0x0  }
0x19: {  	s7 =	sld [smem:$0x3FA0]  }
0x1a: {  	s8 =	sadd.s32 $0xFFFFE003, lr  }
0x1b: {  	s9 =	sadd.s32 $0xFFFFFEF7, lr;
	s5 =	simm.s32 $0xFFFFFFFF;
	p2 =	slt.u32 s8, $0xFFFFF086  }
0x1c: {  	p1 =	slt.u32 s9, $0xF7A;
	s5 =	simm.s32 @!p2 $0x0  }
0x1d: {  	s5 =	simm.s32 @p1 $0x1;
	p0 =	seq.s32 s7, s2  }
0x1e: {  	s7 =	smul.u32 @!p0 $0xF7A, s2;
	p2 =	seq.s32 @!p0 s5, $0x0  }
0x1f: {  	s9 =	smul.u32 $0xF7A, s1;
	s8 =	simm.s32 @!p0 $0x1BF5;
	p2 =	por !p2, p0  }
0x20: {  	[sflag:s8] =	ssyncset.s32 @!p0 $0xFFFFF086;
	s6 =	sadd.s32 @!p0 s3, s7;
	s7 =	simm.s32 @!p0 $0x108  }
0x21: {  	s3 =	sadd.s32 s3, s9;
	s6 =	sadd.s32 @!p0 $0x88, s6;
	s7 =	simm.s32 @p2 $0x1082  }
0x22: {  	[simem:s7], [sflag:s8] =	dma.local @!p0 [hbm:s6], $0xF7A  }
0x23: {  	s9 =	sor.u32 $0xD0000000, s2;
	s6 =	simm.s32 $0x108;
	_ =	swait.ge @!p0 [sflag:s8], $0x0  }
0x24: {  	s3 =	sadd.s32 $0x88, s3;
	s6 =	simm.s32 @!p1 $0x1082;
	[sflag:s4] =	ssyncset.s32 $0xFFFFF086  }
0x25: {  	[simem:s6], [sflag:s4] =	dma.local [hbm:s3], $0xF7A  }
0x26: {  	[smem:$0x3FA0] =	sst s1;
	(tag) =	ssettag s2;
	_ =	strace s9  }
0x27: {  	s1 =	sld [smem:$0x3FB0]  }
0x28: {  	s2 =	sld [smem:$0x3FB1]  }
0x29: {  	s4 =	sld [smem:$0x3FB3]  }
0x2a: {  	p0 =	seq.s32 s5, $0x0;
	s5 =	sld [smem:$0x3FB4]  }
0x2b: {  	s6 =	sld [smem:$0x3FB5]  }
0x2c: {  	s7 =	sld [smem:$0x3FB6]  }
0x2d: {  	s3 =	simm.s32 $0x108;
	s8 =	sld [smem:$0x3FB7]  }
0x2e: {  	s3 =	simm.s32 @!p0 $0x1082;
	s9 =	sld [smem:$0x3FB8]  }
0x2f: {  	lr =	sadd.s32 s0, s3;
	s0 =	sld [smem:$0x3FAF]  }
0x30: {  	s3 =	sld [smem:$0x3FB2]  }
0x31: {  	[smem:$0x3FBB] =	sst s10  }
0x32: {  	s10 =	sld [smem:$0x3FB9];
	_ =	sdelay $0x3  }
0x33: {  	p0 =	seq.s32 s10, $0x1;
	s10 =	sld [smem:$0x3FBB];
	_ =	sdelay $0x3  }
0x34: {  	[smem:$0x3FBB] =	sst s10  }
0x35: {  	s10 =	sld [smem:$0x3FBA];
	_ =	sdelay $0x3  }
0x36: {  	p1 =	seq.s32 s10, $0x1;
	s10 =	sld [smem:$0x3FBB];
	_ =	sdelay $0x3  }
0x37: {  	[smem:$0x3FBB] =	sst s10  }
0x38: {  	s10 =	sld [smem:$0x3FBC]  }
0x39: {  	_ = 	snop;
	(pc) =	sbr.ind lr, $3  }
0x3a: {  	_ = 	snop  }
0x3b: {  	_ = 	snop  }
0x3c: {  	p2 =	seq.s32 s10, $0x1;
	s10 =	sld [smem:$0x3FBB]  }
0x3d: {  	_ =	shalt  }
0x3e: {  	_ =	shalt  }
0x3f: {  	_ =	shalt  }
0x40: {  	_ =	shalt  }
0x41: {  	_ =	shalt  }
0x42: {  	_ =	shalt  }
0x43: {  	_ =	shalt  }
0x44: {  	_ =	shalt  }
0x45: {  	_ =	shalt  }
0x46: {  	_ =	shalt  }
0x47: {  	_ =	shalt  }
0x48: {  	_ =	shalt  }
0x49: {  	_ =	shalt  }
0x4a: {  	_ =	shalt  }
0x4b: {  	_ =	shalt  }
0x4c: {  	_ =	shalt  }
0x4d: {  	_ =	shalt  }
0x4e: {  	_ =	shalt  }
0x4f: {  	_ =	shalt  }
0x50: {  	_ =	shalt  }
0x51: {  	_ =	shalt  }
0x52: {  	_ =	shalt  }
0x53: {  	_ =	shalt  }
0x54: {  	_ =	shalt  }
0x55: {  	_ =	shalt  }
0x56: {  	_ =	shalt  }
0x57: {  	_ =	shalt  }
0x58: {  	_ =	shalt  }
0x59: {  	_ =	shalt  }
0x5a: {  	_ =	shalt  }
0x5b: {  	_ =	shalt  }
0x5c: {  	_ =	shalt  }
0x5d: {  	_ =	shalt  }
0x5e: {  	_ =	shalt  }
0x5f: {  	_ =	shalt  }
0x60: {  	_ =	shalt  }
0x61: {  	_ =	shalt  }
0x62: {  	_ =	shalt  }
0x63: {  	_ =	shalt  }
0x64: {  	_ =	shalt  }
0x65: {  	_ =	shalt  }
0x66: {  	_ =	shalt  }
0x67: {  	_ =	shalt  }
0x68: {  	_ =	shalt  }
0x69: {  	_ =	shalt  }
0x6a: {  	_ =	shalt  }
0x6b: {  	_ =	shalt  }
0x6c: {  	_ =	shalt  }
0x6d: {  	_ =	shalt  }
0x6e: {  	_ =	shalt  }
0x6f: {  	_ =	shalt  }
0x70: {  	_ =	shalt  }
0x71: {  	_ =	shalt  }
0x72: {  	_ =	shalt  }
0x73: {  	_ =	shalt  }
0x74: {  	_ =	shalt  }
0x75: {  	_ =	shalt  }
0x76: {  	_ =	shalt  }
0x77: {  	_ =	shalt  }
0x78: {  	_ =	shalt  }
0x79: {  	_ =	shalt  }
0x7a: {  	_ =	shalt  }
0x7b: {  	_ =	shalt  }
0x7c: {  	_ =	shalt  }
0x7d: {  	_ =	shalt  }
0x7e: {  	_ =	shalt  }
0x7f: {  	_ =	shalt  }
0x80: {  	_ =	shalt  }
0x81: {  	_ =	shalt  }
0x82: {  	_ =	shalt  }
0x83: {  	_ =	shalt  }
0x84: {  	_ =	shalt  }
0x85: {  	_ =	shalt  }
0x86: {  	_ =	shalt  }
0x87: {  	_ =	shalt  }
.Lfunc_end0:
.L_simem_size_0:
called_computation_lowered:
.L_overlay_start_0:
0x88: {  	s2 =	sld [smem:$0x3FD9]  }
0x89: {  	s3 =	sld [smem:$0x3FFE];
	_ =	sdelay $0x1  }
0x8a: {  	s1 =	srdreg.scid  }
0x8b: {  	s0 =	sand.u32 $0x1, s1  }
0x8c: {  	s18 =	sshll.u32 s0, $0xA;
	s2 =	sadd.s32 s3, s2  }
0x8d: {  	s2 =	sadd.s32 s2, s18  }
0x8e: {  	[smem:$0x3FC7] =	sst s2  }
0x8f: {  	_ = 	snop  }
0x90: {  	s2 =	sld [smem:$0x3FC9]  }
0x91: {  	s19 =	sld [smem:$0x3FD0];
	(tm) =	ssettm $0x1  }
0x92: {  	s4 =	sld [smem:$0x3FFB];
	_ =	sdelay $0x3  }
0x93: {  	_ =	strace s4  }
0x94: {  	s4 =	sld [smem:$0x3FFC];
	_ =	sdelay $0x3  }
0x95: {  	_ =	strace s4  }
0x96: {  	s4 =	sld [smem:$0x3FFD];
	_ =	sdelay $0x3  }
0x97: {  	_ =	strace s4  }
0x98: {  	_ =	strace $0x8FFFFFFF  }
0x99: {  	s20 =	sld [smem:$0x3FDB];
	_ =	sdelay $0x1  }
0x9a: {  	s5 =	simm.s32 $_scs_section_size  }
0x9b: {  	s6 =	simm.s32 $_size__tile_overlayer_lowered;
	s7 =	simm.s32 $_tile_overlayer_lowered  }
0x9c: {  	s23 =	simm.s32 $0x1BFF;
	s22 =	sshll.u32 s7, $0x1;
	s4 =	sadd.s32 s5, s20  }
0x9d: {  	s8 =	simm.s32 $0x0;
	s21 =	sshll.u32 s6, $0x1;
	s6 =	sadd.s32 s22, s4  }
0x9e: {  	[timem:s8], [sflag:s23] =	dma.local [hbm:s6], s21  }
0x9f: {  	_ =	swait.ge [sflag:s23], s21  }
0xa0: {  	s5 =	ssub.s32 $0x0, s21;
	[sflag:s23] =	ssyncset.done $0x0  }
0xa1: {  	[sflag:s23] =	ssyncadd.s32 s5;
	_ =	sdelay $0x1  }
0xa2: {  	s24 =	simm.s32 $0x1B8B  }
0xa3: {  	_ =	swait.ge [sflag:s24], $0x1  }
0xa4: {  	[sflag:s24] =	ssyncset.done $0x0  }
0xa5: {  	s25 =	simm.s32 $0x1B8E;
	[sflag:s24] =	ssyncadd.s32 $0xFFFFFFFF  }
0xa6: {  	s26 =	simm.s32 $execute0_lowered;
	[smem:$0x3FD2] =	sst s25  }
0xa7: {  	s5 =	sshll.u32 s26, $0x1;
	_ =	strace $0x80000046;
	[dreg:$0x1] =	wrdreg $0xFFFFFFFF  }
0xa8: {  	s28 =	simm.s32 $_size_execute0_lowered;
	s4 =	sadd.s32 s4, s5;
	[dreg:$0x0] =	wrdreg $0x0  }
0xa9: {  	s5 =	sshll.u32 s28, $0x1;
	[dreg:$0x2] =	wrdreg s4  }
0xaa: {  	[dreg:$0x3] =	wrdreg s5  }
0xab: {  	[dreg:$0x4] =	wrdreg $0xC0  }
0xac: {  	_ =	task [dreg:s8], $0x5FFFF  }
0xad: {  	[dreg:$0x1] =	wrdreg $0xFFFFFFFF  }
0xae: {  	[dreg:$0x0] =	wrdreg $0x60  }
0xaf: {  	[dreg:$0x2] =	wrdreg s2  }
0xb0: {  	[dreg:$0x3] =	wrdreg s19  }
0xb1: {  	[dreg:$0x4] =	wrdreg $0x50000  }
0xb2: {  	[dreg:$0x5] =	wrdreg $0x9  }
0xb3: {  	_ =	task.clear_ibuf [dreg:s8], $0x6FFFF;
	_ =	strace $0x90000046  }
0xb4: {  	s29 =	simm.s32 $0x9;
	_ =	strace $0x80000048  }
0xb5: {  	_ =	swait.ge [sflag:s29], $0x1  }
0xb6: {  	[sflag:s29] =	ssyncadd.s32 $0xFFFFFFFF  }
0xb7: {  	_ =	strace $0x90000048  }
0xb8: {  	_ =	sfence  }
0xb9: {  	s30 =	sld [smem:$0x0];
	_ =	sdelay $0x2  }
0xba: {  	s31 =	sshll.u32 s1, $0xD;
	s1 =	sshrl.u32 s1, $0x2  }
0xbb: {  	s3 =	sand.u32 $0x4000, s31;
	s1 =	sadd.s32 s1, s30  }
0xbc: {  	s0 =	sor.u32 s3, s0;
	s1 =	sshll.u32 s1, $0x11  }
0xbd: {  	s0 =	sor.u32 s1, s0  }
0xbe: {  	s0 =	sadd.s32 $0x8F2B, s0  }
0xbf: {  	[sflag:s0] =	ssyncadd.remote.s32 $0x1  }
0xc0: {  	_ =	sfence.sel $0xFFFF  }
0xc1: {  	[dreg:$0x0] =	wrdreg $0xFFFFFFFF;
	(pc) =	sbr.abs _section_cstart, $3  }
0xc2: {  	[dreg:$0x1] =	wrdreg $0xFFFFFFFF  }
0xc3: {  	_ =	task.clear_ibuf [dreg:s8], $0x2FFFF;
	_ =	strace $0x9FFFFFFF  }
0xc4: {  	(tm) =	ssettm $0x7FFFFFFF  }
0xc5: {  	_ =	shalt  }
tec
execute0_lowered:
.L_overlay_start_1:
0x0: {  	(tag) =	ssettag $0x1  }
0x1: {  	s0 =	srdreg.scid;
	s3 =	rddreg [dreg:$0x0]  }
0x2: {  	s5 =	rddreg [dreg:$0x1];
	s7 =	stileid.u32  }
0x3: {  	s1 =	rddreg [dreg:$0x2];
	s2 =	simm.s32 $0x0;
	s10 =	simm.s32 $0x2  }
0x4: {  	s12 =	simm.s32 $0x0;
	s4 =	sand.u32 $0x1, s0;
	[smem:$0x7FF] =	sst s2  }
0x5: {  	p0 =	sne.s32 s7, $0x0;
	s0 =	sshll.u32 s4, $0x4;
	s8 =	ssub.s32 $0x2, s4  }
0x6: {  	s4 =	smul.u32 $0x500, s4;
	s11 =	sshrl.u32 @!p0 s1, $0x3;
	s6 =	sor.u32 s7, s0  }
0x7: {  	s0 =	rddreg [dreg:$0x3];
	_ =	strace $0x80000047;
	s9 =	sshrl.u32 s8, $0x1  }
0x8: {  	v0 =	vlaneseq.u32;
	s7 =	simm.s32 $0x1;
	s6 =	smul.u32 $0x4E2, s6;
	s8 =	ssub.s32 s8, s9  }
0x9: {  	v1 =	vimm.f32 $0.0e+00;
	v6 =	vimm.f32 $1.000000000e+00;
	v2 =	vor.u32 $0x10, v0;
	s4 =	sadd.s32 s5, s4;
	s9 =	simm.s32 $0x4F80;
	s5 =	smax.u32 s8, $0x1  }
0xa: {  	v3 =	vor.u32 $0x20, v0;
	v4 =	vor.u32 $0x30, v0;
	v5 =	vor.u32 $0x40, v0;
	s8 =	simm.s32 $0x50;
	s3 =	sadd.s32 s3, s6;
	s6 =	simm.s32 $0x2800  }
.LBB2_1:
0xb: {  	[tilespmem:s6], [sflag:$0x1] =	stream.linear.gather [hbm4b:s3+s2], $0x2710, $0x38;
	[tilespmem:$0x5280] =	vst v63  }
0xc: {  	s13 =	simm.s32 $0x0;
	s14 =	simm.s32 $0x200  }
.LBB2_2:
0xd: {  	p1 =	sne.s32 s14, $0x9E00;
	[tilespmem:s13+$0x70] =	vst v1  }
0xe: {  	[tilespmem:s13+$0x0] =	vst v1  }
0xf: {  	[tilespmem:s13+$0x10] =	vst v1  }
.Ltmp0:
0x10: {  	[tilespmem:s13+$0x20] =	vst v1;
	(pc) =	sbr.rel @p1 .LBB2_2-.Ltmp0, $4  }
0x11: {  	[tilespmem:s13+$0x30] =	vst v1  }
0x12: {  	[tilespmem:s13+$0x40] =	vst v1  }
0x13: {  	[tilespmem:s13+$0x50] =	vst v1  }
0x14: {  	[tilespmem:s13+$0x60] =	vst v1;
	s13 =	sshra.s32 s14, $0x2;
	s14 =	sadd.s32 $0x200, s14  }
0x15: {  	[tilespmem:s13+$0x70] =	vst v1  }
0x16: {  	[tilespmem:s13+$0x0] =	vst v1  }
0x17: {  	[tilespmem:s13+$0x10] =	vst v1  }
0x18: {  	[tilespmem:s13+$0x20] =	vst v1  }
0x19: {  	[tilespmem:s13+$0x30] =	vst v1  }
0x1a: {  	[tilespmem:s13+$0x40] =	vst v1  }
0x1b: {  	[tilespmem:s13+$0x50] =	vst v1  }
0x1c: {  	[tilespmem:s13+$0x60] =	vst v1  }
0x1d: {  	[tilespmem:$0x4F80] =	vst v0  }
0x1e: {  	[tilespmem:$0x4F90] =	vst v2  }
0x1f: {  	[tilespmem:$0x4FA0] =	vst v3  }
0x20: {  	[tilespmem:$0x4FB0] =	vst v4  }
0x21: {  	s13 =	simm.s32 @!p0 $0x0;
	[tilespmem:$0x4FC0] =	vst v5  }
0x22: {  	[spmem:s1] =	stream.linear.scatter @!p0 [tilespmem:s13], [sflag:$0x2], $0x2800, $0x38;
	[tilespmem:$0x5280] =	vst v63  }
0x23: {  	s13 =	simm.s32 @!p0 $0x2  }
0x24: {  	_ =	swait.ge @!p0 [sflag:s13], $0x2800  }
0x25: {  	[sflag:s13] =	ssyncset.done @!p0 $0x0  }
0x26: {  	[sflag:s13] =	ssyncadd.s32 @!p0 $0xFFFFD800  }
0x27: {  	_ =	swait.ge [sflag:s7], $0x2710  }
0x28: {  	[sflag:s7] =	ssyncset.done $0x0  }
0x29: {  	s14 =	simm.s32 $0x0;
	s13 =	simm.s32 $0x40;
	[sflag:s7] =	ssyncadd.s32 $0xFFFFD8F0  }
.LBB2_4:
0x2a: {  	p1 =	sne.s32 s13, $0x9C00;
	v7 =	vld [tilespmem:s14+$0x2800];
	_ =	sdelay $0x3  }
.Ltmp1:
0x2b: {  	(pc) =	sbr.rel @p1 .LBB2_4-.Ltmp1, $2  }
0x2c: {  	_ =	sdelay $0x2  }
0x2d: {  	s14 =	sshra.s32 s13, $0x2;
	s13 =	sadd.s32 $0x40, s13;
	[tilespmem:v7+s2+$0x0] =	vst.idx.add.f32.msk $0xffff, v6  }
0x2e: {  	v7 =	vld [tilespmem:s14+$0x2800];
	_ =	sdelay $0x7  }
0x2f: {  	[tilespmem:v7+s2+$0x0] =	vst.idx.add.f32.msk $0xffff, v6  }
0x30: {  	[bflag:$0x0] =	sbarrier.arrive $0xFFFF  }
0x31: {  	[spmem:s1] =	stream.indirect.scatter.add.f32 [tilespmem:s2], [sflag:$0x2], $0x80, s9, s8, $0xb8;
	[tilespmem:$0x5280] =	vst v63  }
0x32: {  	_ =	swait.ge [sflag:s10], $0x2800  }
0x33: {  	[sflag:s10] =	ssyncset.done $0x0  }
0x34: {  	s12 =	sadd.s32 $0x1, s12;
	[sflag:s10] =	ssyncadd.s32 $0xFFFFD800  }
0x35: {  	s13 =	simm.s32 @!p0 $0x1C02;
	p1 =	sne.s32 s12, s5;
	[bflag:$0x0] =	sbarrier.arrive $0xFFFF  }
0x36: {  	[hbm:s4], [sflag:s13] =	dma.local @!p0 [spmem:s11], $0x500  }
.Ltmp2:
0x37: {  	_ = 	snop;
	(pc) =	sbr.rel @p1 .LBB2_1-.Ltmp2, $4  }
0x38: {  	s13 =	simm.s32 @!p0 $0x2  }
0x39: {  	_ =	swait.ge @!p0 [sflag:s13], $0x500  }
0x3a: {  	[sflag:s13] =	ssyncset.done @!p0 $0x0  }
0x3b: {  	[sflag:s13] =	ssyncadd.s32 @!p0 $0xFFFFFB00  }
0x3c: {  	_ =	sfence.sel $0x180000  }
0x3d: {  	[bflag:$0x0] =	sbarrier.arrive $0xFFFF  }
0x3e: {  	_ =	strace $0x90000047  }
0x3f: {  	s0 =	sadd.s32 @!p0 $0x100000, s0;
	[bflag:$0x2] =	sbarrier.arrive $0xFFFF  }
0x40: {  	[sflag:s0] =	ssyncadd.tile.s32 @!p0 $0x1;
	_ =	shalt  }
.Lfunc_end2:
_tile_overlayer_lowered:
.L_overlay_start_2:
0x41: {  	(tag) =	ssettag $0x2  }
0x42: {  	s0 =	rddreg [dreg:$0x0];
	s2 =	stileid.u32  }
0x43: {  	s1 =	rddreg [dreg:$0x1];
	p0 =	sne.s32 s2, $0x0  }
0x44: {  	s3 =	rddreg [dreg:$0x2];
	[bflag:$0x3] =	sbarrier.arrive $0xFFFF;
	s2 =	simm.s32 @!p0 $0x1C02  }
0x45: {  	[timem:s3], [sflag:s2] =	dma.local @!p0 [hbm:s0], s1  }
0x46: {  	s0 =	simm.s32 @!p0 $0x2  }
0x47: {  	_ =	swait.ge @!p0 [sflag:s0], s1  }
0x48: {  	s1 =	ssub.s32 @!p0 $0x0, s1;
	[sflag:s0] =	ssyncset.done @!p0 $0x0  }
0x49: {  	[sflag:s0] =	ssyncadd.s32 @!p0 s1  }
0x4a: {  	[bflag:$0x3] =	sbarrier.arrive $0xFFFF  }
0x4b: {  	_ =	shalt  }

</sc_bundles>
